<compile_context>
chip_gen: v7x
topology: tpu7x:2x2x1
jax: 0.10.2.dev20260603
libtpu: 0.0.44.dev20260713+nightly
codegen_flags: <defaults>
</compile_context>

<pallas_src>
import functools

import jax
import jax.numpy as jnp
from jax import lax
from jax.experimental import pallas as pl
from jax.experimental.pallas import tpu as pltpu
from jax.experimental.pallas import tpu_sc as plsc

V = 100000
K = 16
IN_C = 128
OUT_C = 128
PARTIAL_C = 32
VK = V * K

NC = 2
NS = 16
NW = NC * NS
PER_W = VK // NW
CHUNK = 80
NCHUNK = PER_W // CHUNK


def _sc_gather(idx3, table):
    mesh = plsc.VectorSubcoreMesh(core_axis_name="c", subcore_axis_name="s")

    @functools.partial(
        pl.kernel,
        out_type=jax.ShapeDtypeStruct((VK, PARTIAL_C), jnp.float32),
        mesh=mesh,
        compiler_params=pltpu.CompilerParams(use_tc_tiling_on_sc=False),
        scratch_types=[
            pltpu.VMEM((NCHUNK, CHUNK), jnp.int32),
            pltpu.VMEM((CHUNK, PARTIAL_C), jnp.float32),
            pltpu.SemaphoreType.DMA,
        ],
    )
    def gather_k(idx_hbm, table_hbm, out_hbm, idx_v, buf_v, sem):
        wid = lax.axis_index("s") * NC + lax.axis_index("c")
        base = wid * PER_W
        pltpu.sync_copy(idx_hbm.at[wid], idx_v)

        def body(j, carry):
            pltpu.async_copy(table_hbm.at[idx_v.at[j]], buf_v, sem).wait()
            pltpu.sync_copy(buf_v, out_hbm.at[pl.ds(base + j * CHUNK, CHUNK)])
            return carry

        lax.fori_loop(0, NCHUNK, body, 0)

    return gather_k(idx3, table)


def _mlp_body(xf_ref, x_ref, W1_ref, b1_ref, W2_ref, b2_ref, out_ref):
    cdims = (((1,), (1,)), ((), ()))
    p = lax.dot_general(xf_ref[...], W1_ref[...], cdims,
                        preferred_element_type=jnp.float32) + b1_ref[...]
    W2 = W2_ref[...]
    out = lax.dot_general(p, W2[:, :PARTIAL_C], cdims,
                          preferred_element_type=jnp.float32)
    out += lax.dot_general(x_ref[:, PARTIAL_C:], W2[:, PARTIAL_C:], cdims,
                           preferred_element_type=jnp.float32)
    out_ref[...] = out + b2_ref[...]


def _tc_mlp(xf, x, W1, b1, W2, b2):
    R = 2000
    grid = (V // R,)
    return pl.pallas_call(
        _mlp_body,
        grid=grid,
        in_specs=[
            pl.BlockSpec((R, K * PARTIAL_C), lambda i: (i, 0)),
            pl.BlockSpec((R, IN_C), lambda i: (i, 0)),
            pl.BlockSpec((PARTIAL_C, K * PARTIAL_C), lambda i: (0, 0)),
            pl.BlockSpec((1, PARTIAL_C), lambda i: (0, 0)),
            pl.BlockSpec((OUT_C, IN_C), lambda i: (0, 0)),
            pl.BlockSpec((1, OUT_C), lambda i: (0, 0)),
        ],
        out_specs=pl.BlockSpec((R, OUT_C), lambda i: (i, 0)),
        out_shape=jax.ShapeDtypeStruct((V, OUT_C), jnp.float32),
    )(xf, x, W1, b1, W2, b2)


def kernel(x, indices, W1, b1, W2, b2):
    table = x[:, :PARTIAL_C]
    idx3 = indices.astype(jnp.int32).reshape(NW, NCHUNK, CHUNK)
    xf = _sc_gather(idx3, table)
    xf = xf.reshape(V, K * PARTIAL_C)
    return _tc_mlp(xf, x, W1, b1.reshape(1, PARTIAL_C), W2,
                   b2.reshape(1, OUT_C))

# --- scband reference (transcript-rebuilt; emitter-appended) ---
"""Pipeline reference for scband-faster-spiral-conv-19980187861858 (READ-ONLY COPY).

The authoritative reference and input builder live on the scoring server;
editing this copy changes nothing except your own understanding.
"""

import jax, jax.numpy as jnp
import numpy as np

V = 100000
K = 16
IN_C = 128
OUT_C = 128
N_DIV = 4
PARTIAL_C = IN_C // N_DIV  # 32


def setup_inputs(seed: int = 0) -> dict:
    key = jax.random.key(seed)
    k1, k2, k3, k4, k5, k6 = jax.random.split(key, 6)
    x = jax.random.normal(k1, (V, IN_C), dtype=jnp.float32)
    indices = jax.random.randint(k2, (V, K), 0, V, dtype=jnp.int64)
    # partial_linear: Linear(partial_c*K -> partial_c), torch weight layout [out, in]
    fan_in1 = PARTIAL_C * K
    lim1 = 1.0 / np.sqrt(fan_in1)
    W1 = jax.random.uniform(k3, (PARTIAL_C, fan_in1), minval=-lim1, maxval=lim1, dtype=jnp.float32)
    b1 = jax.random.uniform(k4, (PARTIAL_C,), minval=-lim1, maxval=lim1, dtype=jnp.float32)
    # fusion_linear: Linear(in_channels -> out_channels)
    lim2 = 1.0 / np.sqrt(IN_C)
    W2 = jax.random.uniform(k5, (OUT_C, IN_C), minval=-lim2, maxval=lim2, dtype=jnp.float32)
    b2 = jax.random.uniform(k6, (OUT_C,), minval=-lim2, maxval=lim2, dtype=jnp.float32)
    return {"x": x, "indices": indices, "W1": W1, "b1": b1, "W2": W2, "b2": b2}


def reference(x, indices, W1, b1, W2, b2):
    # fast_spiral_gather, x.dim() == 2 branch
    x_partial = x[:, :PARTIAL_C]
    x_untouched = x[:, PARTIAL_C:]
    x_gather = jnp.take(x_partial, indices.reshape(-1), axis=0)
    x_gather = x_gather.reshape(indices.shape[0], indices.shape[1], PARTIAL_C)
    x_flat = x_gather.reshape(indices.shape[0], -1)  # [V, K*partial_c]
    # partial_linear
    x_p_out = x_flat @ W1.T + b1  # [V, partial_c]
    # concat + fusion_linear
    x_cat = jnp.concatenate([x_p_out, x_untouched], axis=1)  # [V, in_channels]
    out = x_cat @ W2.T + b2  # [V, out_channels]
    return out

if __name__ == "__main__":
    import jax
    _d = setup_inputs()
    print(jax.jit(kernel)(*tuple(_d.values())))

</pallas_src>

<mosaic_0001>
#map = affine_map<(d0, d1) -> (0, 0, 0)>
#map1 = affine_map<(d0, d1) -> (0, 0)>
module attributes {stable_mosaic.version = 14 : i64} {
  func.func @gather_k(%arg0: i32, %arg1: i32, %arg2: memref<32x625x80xi32, #tpu.memory_space<hbm>>, %arg3: memref<100000x32xf32, #tpu.memory_space<hbm>>, %arg4: memref<1600000x32xf32, #tpu.memory_space<hbm>>, %arg5: memref<625x80xi32, #tpu.memory_space<vmem>>, %arg6: memref<80x32xf32, #tpu.memory_space<vmem>>, %arg7: memref<!tpu.dma_semaphore, #tpu.memory_space<semaphore_mem>>) attributes {dimension_semantics = [#tpu.dimension_semantics<core_parallel>, #tpu.dimension_semantics<subcore_parallel>], iteration_bounds = array<i64: 2, 16>, scalar_prefetch = 0 : i64, scratch_operands = 3 : i64, tpu.core_type = #tpu.core_type<sc_vector_subcore>, window_params = [{transform_indices = #map}, {transform_indices = #map1}, {transform_indices = #map1}]} {
    %mul3A = arith.constant 2 : i32
    %mul3A_0 = arith.muli %arg1, %mul3A : i32
    %add3A = arith.addi %mul3A_0, %arg0 : i32
    %mul3A_1 = arith.constant 50000 : i32
    %mul3A_2 = arith.muli %add3A, %mul3A_1 : i32
    "tpu.region"() ({
      %run_scoped3A = tpu.sem_alloc : memref<!tpu.dma_semaphore, #tpu.memory_space<semaphore_mem>>
      %dma_start3A = arith.constant 0 : i32
      %dma_start3A_8 = arith.constant 0 : i32
      %dma_start3A_9 = tpu.memref_slice %arg2[%add3A, %dma_start3A, %dma_start3A_8] : memref<32x625x80xi32, #tpu.memory_space<hbm>> -> memref<1x625x80xi32, #tpu.memory_space<hbm>>
      %dma_start3A_10 = tpu.memref_squeeze %dma_start3A_9 : memref<1x625x80xi32, #tpu.memory_space<hbm>> -> memref<625x80xi32, #tpu.memory_space<hbm>>
      %dma_start3A_11 = arith.constant 0 : i32
      %dma_start3A_12 = arith.constant 0 : i32
      %dma_start3A_13 = tpu.memref_slice %arg2[%add3A, %dma_start3A_11, %dma_start3A_12] : memref<32x625x80xi32, #tpu.memory_space<hbm>> -> memref<1x625x80xi32, #tpu.memory_space<hbm>>
      %dma_start3A_14 = tpu.memref_squeeze %dma_start3A_13 : memref<1x625x80xi32, #tpu.memory_space<hbm>> -> memref<625x80xi32, #tpu.memory_space<hbm>>
      tpu.enqueue_dma source(%dma_start3A_14 : memref<625x80xi32, #tpu.memory_space<hbm>>) target(%arg5 : memref<625x80xi32, #tpu.memory_space<vmem>>) target_semaphore(%run_scoped3A : memref<!tpu.dma_semaphore, #tpu.memory_space<semaphore_mem>>)
      %dma_wait3A = arith.constant 0 : i32
      %dma_wait3A_15 = arith.constant 0 : i32
      %dma_wait3A_16 = tpu.memref_slice %arg2[%add3A, %dma_wait3A, %dma_wait3A_15] : memref<32x625x80xi32, #tpu.memory_space<hbm>> -> memref<1x625x80xi32, #tpu.memory_space<hbm>>
      %dma_wait3A_17 = tpu.memref_squeeze %dma_wait3A_16 : memref<1x625x80xi32, #tpu.memory_space<hbm>> -> memref<625x80xi32, #tpu.memory_space<hbm>>
      %dma_wait3A_18 = arith.constant 0 : i32
      %dma_wait3A_19 = arith.constant 0 : i32
      %dma_wait3A_20 = tpu.memref_slice %arg2[%add3A, %dma_wait3A_18, %dma_wait3A_19] : memref<32x625x80xi32, #tpu.memory_space<hbm>> -> memref<1x625x80xi32, #tpu.memory_space<hbm>>
      %dma_wait3A_21 = tpu.memref_squeeze %dma_wait3A_20 : memref<1x625x80xi32, #tpu.memory_space<hbm>> -> memref<625x80xi32, #tpu.memory_space<hbm>>
      tpu.wait_dma2 semaphore(%run_scoped3A : memref<!tpu.dma_semaphore, #tpu.memory_space<semaphore_mem>>) src(%dma_wait3A_21 : memref<625x80xi32, #tpu.memory_space<hbm>>) dst(%arg5 : memref<625x80xi32, #tpu.memory_space<vmem>>)
      tpu.yield
    }) : () -> ()
    %scan3A = arith.constant 0 : i32
    %scan3A_3 = arith.constant 0 : i32
    %scan3A_4 = arith.constant 625 : i32
    %scan3A_5 = arith.addi %scan3A_3, %scan3A_4 : i32
    %scan3A_6 = arith.constant 1 : i32
    scf.for %scan3A_8 = %scan3A_3 to %scan3A_5 step %scan3A_6  : i32 {
      %dma_start3A = arith.constant 0 : i32
      %dma_start3A_9 = tpu.memref_slice %arg5[%scan3A_8, %dma_start3A] : memref<625x80xi32, #tpu.memory_space<vmem>> -> memref<1x80xi32, #tpu.memory_space<vmem>>
      %dma_start3A_10 = tpu.memref_squeeze %dma_start3A_9 : memref<1x80xi32, #tpu.memory_space<vmem>> -> memref<80xi32, #tpu.memory_space<vmem>>
      %dma_start3A_11 = arith.constant 0 : i32
      %dma_start3A_12 = arith.constant 0 : i32
      %dma_start3A_13 = tpu.memref_slice %arg3[%dma_start3A_11, %dma_start3A_12] : memref<100000x32xf32, #tpu.memory_space<hbm>> -> memref<100000x32xf32, #tpu.memory_space<hbm>>
      tpu.enqueue_indirect_dma source(%dma_start3A_13 : memref<100000x32xf32, #tpu.memory_space<hbm>>) target(%arg6 : memref<80x32xf32, #tpu.memory_space<vmem>>) offsets(%dma_start3A_10 : memref<80xi32, #tpu.memory_space<vmem>>) semaphore(%arg7 : memref<!tpu.dma_semaphore, #tpu.memory_space<semaphore_mem>>)
      %dma_wait3A = arith.constant 0 : i32
      %dma_wait3A_14 = tpu.memref_slice %arg5[%scan3A_8, %dma_wait3A] : memref<625x80xi32, #tpu.memory_space<vmem>> -> memref<1x80xi32, #tpu.memory_space<vmem>>
      %dma_wait3A_15 = tpu.memref_squeeze %dma_wait3A_14 : memref<1x80xi32, #tpu.memory_space<vmem>> -> memref<80xi32, #tpu.memory_space<vmem>>
      %dma_wait3A_16 = arith.constant 0 : i32
      %dma_wait3A_17 = arith.constant 0 : i32
      %dma_wait3A_18 = tpu.memref_slice %arg3[%dma_wait3A_16, %dma_wait3A_17] : memref<100000x32xf32, #tpu.memory_space<hbm>> -> memref<100000x32xf32, #tpu.memory_space<hbm>>
      tpu.wait_indirect_dma semaphore(%arg7 : memref<!tpu.dma_semaphore, #tpu.memory_space<semaphore_mem>>) src(%dma_wait3A_18 : memref<100000x32xf32, #tpu.memory_space<hbm>>) dst(%arg6 : memref<80x32xf32, #tpu.memory_space<vmem>>)
      %mul3A_19 = arith.constant 80 : i32
      %mul3A_20 = arith.muli %scan3A_8, %mul3A_19 : i32
      %add3A_21 = arith.addi %mul3A_2, %mul3A_20 : i32
      "tpu.region"() ({
        %run_scoped3A = tpu.sem_alloc : memref<!tpu.dma_semaphore, #tpu.memory_space<semaphore_mem>>
        %dma_start3A_22 = arith.constant 0 : i32
        %dma_start3A_23 = tpu.memref_slice %arg4[%add3A_21, %dma_start3A_22] : memref<1600000x32xf32, #tpu.memory_space<hbm>> -> memref<80x32xf32, #tpu.memory_space<hbm>>
        %dma_start3A_24 = arith.constant 0 : i32
        %dma_start3A_25 = tpu.memref_slice %arg4[%add3A_21, %dma_start3A_24] : memref<1600000x32xf32, #tpu.memory_space<hbm>> -> memref<80x32xf32, #tpu.memory_space<hbm>>
        tpu.enqueue_dma source(%arg6 : memref<80x32xf32, #tpu.memory_space<vmem>>) target(%dma_start3A_25 : memref<80x32xf32, #tpu.memory_space<hbm>>) target_semaphore(%run_scoped3A : memref<!tpu.dma_semaphore, #tpu.memory_space<semaphore_mem>>)
        %dma_wait3A_26 = arith.constant 0 : i32
        %dma_wait3A_27 = tpu.memref_slice %arg4[%add3A_21, %dma_wait3A_26] : memref<1600000x32xf32, #tpu.memory_space<hbm>> -> memref<80x32xf32, #tpu.memory_space<hbm>>
        %dma_wait3A_28 = arith.constant 0 : i32
        %dma_wait3A_29 = tpu.memref_slice %arg4[%add3A_21, %dma_wait3A_28] : memref<1600000x32xf32, #tpu.memory_space<hbm>> -> memref<80x32xf32, #tpu.memory_space<hbm>>
        tpu.wait_dma2 semaphore(%run_scoped3A : memref<!tpu.dma_semaphore, #tpu.memory_space<semaphore_mem>>) src(%arg6 : memref<80x32xf32, #tpu.memory_space<vmem>>) dst(%dma_wait3A_29 : memref<80x32xf32, #tpu.memory_space<hbm>>)
        tpu.yield
      }) : () -> ()
    }
    %scan3A_7 = arith.constant 625 : i32
    return
  }
}

module attributes {stable_mosaic.version = 14 : i64} {
  func.func @_mlp_body(%arg0: i32, %arg1: memref<2000x512xf32, #tpu.memory_space<vmem>>, %arg2: memref<2000x128xf32, #tpu.memory_space<vmem>>, %arg3: memref<32x512xf32, #tpu.memory_space<vmem>>, %arg4: memref<1x32xf32, #tpu.memory_space<vmem>>, %arg5: memref<128x128xf32, #tpu.memory_space<vmem>>, %arg6: memref<1x128xf32, #tpu.memory_space<vmem>>, %arg7: memref<2000x128xf32, #tpu.memory_space<vmem>>) attributes {dimension_semantics = [#tpu.dimension_semantics<arbitrary>], iteration_bounds = array<i64: 50>, scalar_prefetch = 0 : i64, scratch_operands = 0 : i64, tpu.core_type = #tpu.core_type<tc>, window_params = [{transform_indices = @transform_0, window_bounds = array<i64: 2000, 512>}, {transform_indices = @transform_1, window_bounds = array<i64: 2000, 128>}, {pipeline_mode = #tpu.pipeline_mode<synchronous>, transform_indices = @transform_2, window_bounds = array<i64: 32, 512>}, {pipeline_mode = #tpu.pipeline_mode<synchronous>, transform_indices = @transform_3, window_bounds = array<i64: 1, 32>}, {pipeline_mode = #tpu.pipeline_mode<synchronous>, transform_indices = @transform_4, window_bounds = array<i64: 128, 128>}, {pipeline_mode = #tpu.pipeline_mode<synchronous>, transform_indices = @transform_5, window_bounds = array<i64: 1, 128>}, {transform_indices = @transform_6, window_bounds = array<i64: 2000, 128>}]} {
    %get3A = arith.constant 0 : index
    %get3A_0 = arith.constant 0 : index
    %get3A_1 = vector.load %arg1[%get3A, %get3A_0] : memref<2000x512xf32, #tpu.memory_space<vmem>>, vector<2000x512xf32>
    %get3A_2 = arith.constant 0 : index
    %get3A_3 = arith.constant 0 : index
    %get3A_4 = vector.load %arg3[%get3A_2, %get3A_3] : memref<32x512xf32, #tpu.memory_space<vmem>>, vector<32x512xf32>
    %dot_general3A = arith.constant dense<0.000000e+00> : vector<2000x32xf32>
    %dot_general3A_5 = tpu.matmul %get3A_1, %get3A_4, %dot_general3A {dimension_numbers = #tpu.dot_dimension_numbers<[1], [1], [0], [0], [0, 0, 1, 0], [], []>, transpose_lhs_hint = false} : vector<2000x512xf32>, vector<32x512xf32>, vector<2000x32xf32> -> vector<2000x32xf32>
    %get3A_6 = arith.constant 0 : index
    %get3A_7 = arith.constant 0 : index
    %get3A_8 = vector.load %arg4[%get3A_6, %get3A_7] : memref<1x32xf32, #tpu.memory_space<vmem>>, vector<1x32xf32>
    %add3A = vector.broadcast %get3A_8 : vector<1x32xf32> to vector<2000x32xf32>
    %add3A_9 = arith.addf %dot_general3A_5, %add3A : vector<2000x32xf32>
    %get3A_10 = arith.constant 0 : index
    %get3A_11 = arith.constant 0 : index
    %get3A_12 = vector.load %arg5[%get3A_10, %get3A_11] : memref<128x128xf32, #tpu.memory_space<vmem>>, vector<128x128xf32>
    %slice3A = vector.extract_strided_slice %get3A_12 {offsets = [0, 0], sizes = [128, 32], strides = [1, 1]} : vector<128x128xf32> to vector<128x32xf32>
    %dot_general3A_13 = arith.constant dense<0.000000e+00> : vector<2000x128xf32>
    %dot_general3A_14 = tpu.matmul %add3A_9, %slice3A, %dot_general3A_13 {dimension_numbers = #tpu.dot_dimension_numbers<[1], [1], [0], [0], [0, 0, 1, 0], [], []>, transpose_lhs_hint = false} : vector<2000x32xf32>, vector<128x32xf32>, vector<2000x128xf32> -> vector<2000x128xf32>
    %get3A_15 = arith.constant 0 : index
    %get3A_16 = arith.constant 32 : index
    %get3A_17 = vector.load %arg2[%get3A_15, %get3A_16] : memref<2000x128xf32, #tpu.memory_space<vmem>>, vector<2000x96xf32>
    %slice3A_18 = vector.extract_strided_slice %get3A_12 {offsets = [0, 32], sizes = [128, 96], strides = [1, 1]} : vector<128x128xf32> to vector<128x96xf32>
    %dot_general3A_19 = arith.constant dense<0.000000e+00> : vector<2000x128xf32>
    %dot_general3A_20 = tpu.matmul %get3A_17, %slice3A_18, %dot_general3A_19 {dimension_numbers = #tpu.dot_dimension_numbers<[1], [1], [0], [0], [0, 0, 1, 0], [], []>, transpose_lhs_hint = false} : vector<2000x96xf32>, vector<128x96xf32>, vector<2000x128xf32> -> vector<2000x128xf32>
    %add3A_21 = arith.addf %dot_general3A_14, %dot_general3A_20 : vector<2000x128xf32>
    %get3A_22 = arith.constant 0 : index
    %get3A_23 = arith.constant 0 : index
    %get3A_24 = vector.load %arg6[%get3A_22, %get3A_23] : memref<1x128xf32, #tpu.memory_space<vmem>>, vector<1x128xf32>
    %add3A_25 = vector.broadcast %get3A_24 : vector<1x128xf32> to vector<2000x128xf32>
    %add3A_26 = arith.addf %add3A_21, %add3A_25 : vector<2000x128xf32>
    %swap3A = arith.constant 0 : index
    %swap3A_27 = arith.constant 0 : index
    %swap3A_28 = vector.load %arg7[%swap3A, %swap3A_27] : memref<2000x128xf32, #tpu.memory_space<vmem>>, vector<2000x128xf32>
    tpu.vector_store %arg7[%swap3A, %swap3A_27], %add3A_26 {strides = array<i32>} : memref<2000x128xf32, #tpu.memory_space<vmem>>, vector<2000x128xf32>,
    return
  }
  func.func @transform_0(%arg0: i32) -> (i32, i32) {
    %c0_i32 = arith.constant 0 : i32
    %c0_i32_0 = arith.constant 0 : i32
    return %arg0, %c0_i32 : i32, i32
  }
  func.func @transform_1(%arg0: i32) -> (i32, i32) {
    %c0_i32 = arith.constant 0 : i32
    %c0_i32_0 = arith.constant 0 : i32
    return %arg0, %c0_i32 : i32, i32
  }
  func.func @transform_2(%arg0: i32) -> (i32, i32) {
    %c0_i32 = arith.constant 0 : i32
    %c0_i32_0 = arith.constant 0 : i32
    %c0_i32_1 = arith.constant 0 : i32
    return %c0_i32, %c0_i32_0 : i32, i32
  }
  func.func @transform_3(%arg0: i32) -> (i32, i32) {
    %c0_i32 = arith.constant 0 : i32
    %c0_i32_0 = arith.constant 0 : i32
    %c0_i32_1 = arith.constant 0 : i32
    return %c0_i32, %c0_i32_0 : i32, i32
  }
  func.func @transform_4(%arg0: i32) -> (i32, i32) {
    %c0_i32 = arith.constant 0 : i32
    %c0_i32_0 = arith.constant 0 : i32
    %c0_i32_1 = arith.constant 0 : i32
    return %c0_i32, %c0_i32_0 : i32, i32
  }
  func.func @transform_5(%arg0: i32) -> (i32, i32) {
    %c0_i32 = arith.constant 0 : i32
    %c0_i32_0 = arith.constant 0 : i32
    %c0_i32_1 = arith.constant 0 : i32
    return %c0_i32, %c0_i32_0 : i32, i32
  }
  func.func @transform_6(%arg0: i32) -> (i32, i32) {
    %c0_i32 = arith.constant 0 : i32
    %c0_i32_0 = arith.constant 0 : i32
    return %arg0, %c0_i32 : i32, i32
  }
}

</mosaic_0001>

<sc_bundles>
// kernel: kernel.4.cloned.1.call-start
scs
__scs_entry_jumppad:
0x0: {  	(pc) =	sbr.rel $0x88, $3  }
0x1: {  	(tag) =	ssettag $0x0;
	lr =	simm.s32 $0x1  }
0x2: {  	[smem:$0x3F9B] =	sst lr;
	_ =	strace $0xD0000000  }
0x3: {  	_ = 	snop  }
0x4: {  	_ = 	snop  }
0x5: {  	_ = 	snop  }
0x6: {  	_ = 	snop  }
0x7: {  	_ = 	snop  }
__scs_overlays_trampoline_lowered:
0x8: {  	[smem:$0x3FAA] =	sst s0  }
0x9: {  	[smem:$0x3FAB] =	sst s1  }
0xa: {  	[smem:$0x3FAC] =	sst s2  }
0xb: {  	[smem:$0x3FAD] =	sst s3  }
0xc: {  	[smem:$0x3FAE] =	sst s4  }
0xd: {  	[smem:$0x3FAF] =	sst s5  }
0xe: {  	[smem:$0x3FB0] =	sst s6  }
0xf: {  	[smem:$0x3FB1] =	sst s7  }
0x10: {  	[smem:$0x3FB2] =	sst s8  }
0x11: {  	[smem:$0x3FB3] =	sst s9;
	s0 =	simm.s32 @!p0 $0x0  }
0x12: {  	s1 =	sld [smem:$0x3F99];
	s0 =	simm.s32 @p0 $0x1  }
0x13: {  	[smem:$0x3FB4] =	sst s0;
	s0 =	simm.s32 @!p1 $0x0  }
0x14: {  	s2 =	sld [smem:$0x3F98];
	s0 =	simm.s32 @p1 $0x1  }
0x15: {  	[smem:$0x3FB5] =	sst s0;
	s0 =	simm.s32 @!p2 $0x0  }
0x16: {  	s3 =	sld [smem:$0x3FDB];
	s0 =	simm.s32 @p2 $0x1  }
0x17: {  	s4 =	simm.s32 $0x1BF5;
	[smem:$0x3FB7] =	sst s0  }
0x18: {  	s0 =	sld [smem:$0x3F9A];
	_ =	swait.ge [sflag:s4], $0x0  }
0x19: {  	s7 =	sld [smem:$0x3F9B]  }
0x1a: {  	s8 =	sadd.s32 $0xFFFFE003, lr  }
0x1b: {  	s9 =	sadd.s32 $0xFFFFFEF7, lr;
	s5 =	simm.s32 $0xFFFFFFFF;
	p2 =	slt.u32 s8, $0xFFFFF086  }
0x1c: {  	p1 =	slt.u32 s9, $0xF7A;
	s5 =	simm.s32 @!p2 $0x0  }
0x1d: {  	s5 =	simm.s32 @p1 $0x1;
	p0 =	seq.s32 s7, s2  }
0x1e: {  	s7 =	smul.u32 @!p0 $0xF7A, s2;
	p2 =	seq.s32 @!p0 s5, $0x0  }
0x1f: {  	s9 =	smul.u32 $0xF7A, s1;
	s8 =	simm.s32 @!p0 $0x1BF5;
	p2 =	por !p2, p0  }
0x20: {  	[sflag:s8] =	ssyncset.s32 @!p0 $0xFFFFF086;
	s6 =	sadd.s32 @!p0 s3, s7;
	s7 =	simm.s32 @!p0 $0x108  }
0x21: {  	s3 =	sadd.s32 s3, s9;
	s6 =	sadd.s32 @!p0 $0x88, s6;
	s7 =	simm.s32 @p2 $0x1082  }
0x22: {  	[simem:s7], [sflag:s8] =	dma.local @!p0 [hbm:s6], $0xF7A  }
0x23: {  	s9 =	sor.u32 $0xD0000000, s2;
	s6 =	simm.s32 $0x108;
	_ =	swait.ge @!p0 [sflag:s8], $0x0  }
0x24: {  	s3 =	sadd.s32 $0x88, s3;
	s6 =	simm.s32 @!p1 $0x1082;
	[sflag:s4] =	ssyncset.s32 $0xFFFFF086  }
0x25: {  	[simem:s6], [sflag:s4] =	dma.local [hbm:s3], $0xF7A  }
0x26: {  	[smem:$0x3F9B] =	sst s1;
	(tag) =	ssettag s2;
	_ =	strace s9  }
0x27: {  	s1 =	sld [smem:$0x3FAB]  }
0x28: {  	s2 =	sld [smem:$0x3FAC]  }
0x29: {  	s4 =	sld [smem:$0x3FAE]  }
0x2a: {  	p0 =	seq.s32 s5, $0x0;
	s5 =	sld [smem:$0x3FAF]  }
0x2b: {  	s6 =	sld [smem:$0x3FB0]  }
0x2c: {  	s7 =	sld [smem:$0x3FB1]  }
0x2d: {  	s3 =	simm.s32 $0x108;
	s8 =	sld [smem:$0x3FB2]  }
0x2e: {  	s3 =	simm.s32 @!p0 $0x1082;
	s9 =	sld [smem:$0x3FB3]  }
0x2f: {  	lr =	sadd.s32 s0, s3;
	s0 =	sld [smem:$0x3FAA]  }
0x30: {  	s3 =	sld [smem:$0x3FAD]  }
0x31: {  	[smem:$0x3FB6] =	sst s10  }
0x32: {  	s10 =	sld [smem:$0x3FB4];
	_ =	sdelay $0x3  }
0x33: {  	p0 =	seq.s32 s10, $0x1;
	s10 =	sld [smem:$0x3FB6];
	_ =	sdelay $0x3  }
0x34: {  	[smem:$0x3FB6] =	sst s10  }
0x35: {  	s10 =	sld [smem:$0x3FB5];
	_ =	sdelay $0x3  }
0x36: {  	p1 =	seq.s32 s10, $0x1;
	s10 =	sld [smem:$0x3FB6];
	_ =	sdelay $0x3  }
0x37: {  	[smem:$0x3FB6] =	sst s10  }
0x38: {  	s10 =	sld [smem:$0x3FB7]  }
0x39: {  	_ = 	snop;
	(pc) =	sbr.ind lr, $3  }
0x3a: {  	_ = 	snop  }
0x3b: {  	_ = 	snop  }
0x3c: {  	p2 =	seq.s32 s10, $0x1;
	s10 =	sld [smem:$0x3FB6]  }
0x3d: {  	_ =	shalt  }
0x3e: {  	_ =	shalt  }
0x3f: {  	_ =	shalt  }
0x40: {  	_ =	shalt  }
0x41: {  	_ =	shalt  }
0x42: {  	_ =	shalt  }
0x43: {  	_ =	shalt  }
0x44: {  	_ =	shalt  }
0x45: {  	_ =	shalt  }
0x46: {  	_ =	shalt  }
0x47: {  	_ =	shalt  }
0x48: {  	_ =	shalt  }
0x49: {  	_ =	shalt  }
0x4a: {  	_ =	shalt  }
0x4b: {  	_ =	shalt  }
0x4c: {  	_ =	shalt  }
0x4d: {  	_ =	shalt  }
0x4e: {  	_ =	shalt  }
0x4f: {  	_ =	shalt  }
0x50: {  	_ =	shalt  }
0x51: {  	_ =	shalt  }
0x52: {  	_ =	shalt  }
0x53: {  	_ =	shalt  }
0x54: {  	_ =	shalt  }
0x55: {  	_ =	shalt  }
0x56: {  	_ =	shalt  }
0x57: {  	_ =	shalt  }
0x58: {  	_ =	shalt  }
0x59: {  	_ =	shalt  }
0x5a: {  	_ =	shalt  }
0x5b: {  	_ =	shalt  }
0x5c: {  	_ =	shalt  }
0x5d: {  	_ =	shalt  }
0x5e: {  	_ =	shalt  }
0x5f: {  	_ =	shalt  }
0x60: {  	_ =	shalt  }
0x61: {  	_ =	shalt  }
0x62: {  	_ =	shalt  }
0x63: {  	_ =	shalt  }
0x64: {  	_ =	shalt  }
0x65: {  	_ =	shalt  }
0x66: {  	_ =	shalt  }
0x67: {  	_ =	shalt  }
0x68: {  	_ =	shalt  }
0x69: {  	_ =	shalt  }
0x6a: {  	_ =	shalt  }
0x6b: {  	_ =	shalt  }
0x6c: {  	_ =	shalt  }
0x6d: {  	_ =	shalt  }
0x6e: {  	_ =	shalt  }
0x6f: {  	_ =	shalt  }
0x70: {  	_ =	shalt  }
0x71: {  	_ =	shalt  }
0x72: {  	_ =	shalt  }
0x73: {  	_ =	shalt  }
0x74: {  	_ =	shalt  }
0x75: {  	_ =	shalt  }
0x76: {  	_ =	shalt  }
0x77: {  	_ =	shalt  }
0x78: {  	_ =	shalt  }
0x79: {  	_ =	shalt  }
0x7a: {  	_ =	shalt  }
0x7b: {  	_ =	shalt  }
0x7c: {  	_ =	shalt  }
0x7d: {  	_ =	shalt  }
0x7e: {  	_ =	shalt  }
0x7f: {  	_ =	shalt  }
0x80: {  	_ =	shalt  }
0x81: {  	_ =	shalt  }
0x82: {  	_ =	shalt  }
0x83: {  	_ =	shalt  }
0x84: {  	_ =	shalt  }
0x85: {  	_ =	shalt  }
0x86: {  	_ =	shalt  }
0x87: {  	_ =	shalt  }
.Lfunc_end0:
.L_simem_size_0:
called_computation_lowered:
.L_overlay_start_0:
0x88: {  	s2 =	sld [smem:$0x3FD9]  }
0x89: {  	s3 =	sld [smem:$0x3FFE];
	_ =	sdelay $0x1  }
0x8a: {  	s1 =	srdreg.scid  }
0x8b: {  	s0 =	sand.u32 $0x1, s1  }
0x8c: {  	s16 =	sshll.u32 s0, $0xA;
	s2 =	sadd.s32 s3, s2  }
0x8d: {  	s2 =	sadd.s32 s2, s16  }
0x8e: {  	[smem:$0x3FC2] =	sst s2  }
0x8f: {  	_ = 	snop  }
0x90: {  	(tm) =	ssettm $0x1  }
0x91: {  	s17 =	sld [smem:$0x3FFB];
	_ =	sdelay $0x3  }
0x92: {  	_ =	strace s17  }
0x93: {  	s2 =	sld [smem:$0x3FFC];
	_ =	sdelay $0x3  }
0x94: {  	_ =	strace s2  }
0x95: {  	s2 =	sld [smem:$0x3FFD];
	_ =	sdelay $0x3  }
0x96: {  	_ =	strace s2  }
0x97: {  	_ =	strace $0x8FFFFFFF  }
0x98: {  	s18 =	sld [smem:$0x3FDB];
	_ =	sdelay $0x1  }
0x99: {  	s19 =	simm.s32 $_scs_section_size  }
0x9a: {  	s4 =	simm.s32 $_size__tile_overlayer_lowered;
	s5 =	simm.s32 $_tile_overlayer_lowered  }
0x9b: {  	s22 =	simm.s32 $0x1BFF;
	s21 =	sshll.u32 s5, $0x1;
	s2 =	sadd.s32 s19, s18  }
0x9c: {  	s6 =	simm.s32 $0x0;
	s20 =	sshll.u32 s4, $0x1;
	s4 =	sadd.s32 s21, s2  }
0x9d: {  	[timem:s6], [sflag:s22] =	dma.local [hbm:s4], s20  }
0x9e: {  	_ =	swait.ge [sflag:s22], s20  }
0x9f: {  	s3 =	ssub.s32 $0x0, s20;
	[sflag:s22] =	ssyncset.done $0x0  }
0xa0: {  	[sflag:s22] =	ssyncadd.s32 s3;
	_ =	sdelay $0x1  }
0xa1: {  	s23 =	simm.s32 $0x1B8B  }
0xa2: {  	_ =	swait.ge [sflag:s23], $0x1  }
0xa3: {  	[sflag:s23] =	ssyncset.done $0x0  }
0xa4: {  	s25 =	simm.s32 $0x1B8E;
	s24 =	sld [smem:$0x3FFE];
	[sflag:s23] =	ssyncadd.s32 $0xFFFFFFFF  }
0xa5: {  	s26 =	simm.s32 $execute0_lowered;
	[smem:$0x3FD2] =	sst s25  }
0xa6: {  	s4 =	sshll.u32 s26, $0x1;
	_ =	strace $0x80000046;
	[dreg:$0x1] =	wrdreg $0xFFFFFFFF  }
0xa7: {  	s28 =	simm.s32 $_size_execute0_lowered;
	s2 =	sadd.s32 s2, s4;
	[dreg:$0x0] =	wrdreg $0x0  }
0xa8: {  	s4 =	sshll.u32 s28, $0x1;
	[dreg:$0x2] =	wrdreg s2  }
0xa9: {  	[dreg:$0x3] =	wrdreg s4  }
0xaa: {  	[dreg:$0x4] =	wrdreg $0xC0  }
0xab: {  	_ =	task [dreg:s6], $0x5FFFF  }
0xac: {  	[dreg:$0x1] =	wrdreg $0xFFFFFFFF  }
0xad: {  	[dreg:$0x0] =	wrdreg $0x60  }
0xae: {  	[dreg:$0x2] =	wrdreg s24  }
0xaf: {  	[dreg:$0x3] =	wrdreg $0x9  }
0xb0: {  	_ =	task.clear_ibuf [dreg:s6], $0x4FFFF;
	_ =	strace $0x90000046  }
0xb1: {  	s29 =	simm.s32 $0x9;
	_ =	strace $0x80000048  }
0xb2: {  	_ =	swait.ge [sflag:s29], $0x1  }
0xb3: {  	[sflag:s29] =	ssyncadd.s32 $0xFFFFFFFF  }
0xb4: {  	_ =	strace $0x90000048  }
0xb5: {  	_ =	sfence  }
0xb6: {  	s30 =	sld [smem:$0x0];
	_ =	sdelay $0x2  }
0xb7: {  	s31 =	sshll.u32 s1, $0xD;
	s1 =	sshrl.u32 s1, $0x2  }
0xb8: {  	s3 =	sand.u32 $0x4000, s31;
	s1 =	sadd.s32 s1, s30  }
0xb9: {  	s0 =	sor.u32 s3, s0;
	s1 =	sshll.u32 s1, $0x11  }
0xba: {  	s0 =	sor.u32 s1, s0  }
0xbb: {  	s0 =	sadd.s32 $0x8F2B, s0  }
0xbc: {  	[sflag:s0] =	ssyncadd.remote.s32 $0x1  }
0xbd: {  	_ =	sfence.sel $0xFFFF  }
0xbe: {  	[dreg:$0x0] =	wrdreg $0xFFFFFFFF;
	(pc) =	sbr.abs _section_cstart, $3  }
0xbf: {  	[dreg:$0x1] =	wrdreg $0xFFFFFFFF  }
0xc0: {  	_ =	task.clear_ibuf [dreg:s6], $0x2FFFF;
	_ =	strace $0x9FFFFFFF  }
0xc1: {  	(tm) =	ssettm $0x7FFFFFFF  }
tec
execute0_lowered:
.L_overlay_start_1:
0x0: {  	(tag) =	ssettag $0x1  }
0x1: {  	s1 =	srdreg.scid;
	s0 =	stileid.u32  }
0x2: {  	s4 =	rddreg [dreg:$0x0];
	s2 =	simm.s32 $0x0;
	s10 =	simm.s32 $0x1  }
0x3: {  	s11 =	simm.s32 $0x0;
	s3 =	sand.u32 $0x1, s1;
	s1 =	rddreg [dreg:$0x1]  }
0x4: {  	s5 =	sshll.u32 s0, $0x1;
	[smem:$0x7FF] =	sst s2;
	s6 =	smul.u32 $0x61A80, s0  }
0x5: {  	s5 =	sor.u32 s3, s5;
	s7 =	ssub.s32 $0x2, s3;
	s9 =	smul.u32 $0x30D40, s3  }
0x6: {  	_ =	strace $0x80000047;
	s5 =	smul.u32 $0xC350, s5;
	s8 =	sshrl.u32 s7, $0x1  }
0x7: {  	s3 =	sadd.s32 $0x1400, s4;
	s6 =	sadd.s32 s6, s4;
	s7 =	ssub.s32 s7, s8  }
0x8: {  	s6 =	sadd.s32 s9, s6;
	s8 =	simm.s32 $0x50;
	s5 =	sshrl.u32 s5, $0x3  }
0x9: {  	s9 =	simm.s32 $0xC350;
	s6 =	sadd.s32 $0x93E00, s6;
	s5 =	sadd.s32 s5, s4  }
0xa: {  	s4 =	sadd.s32 $0x63000, s5;
	s5 =	smax.u32 s7, $0x1;
	s7 =	simm.s32 $0x2  }
.LBB2_1:
0xb: {  	[tilespmem:s2], [sflag:$0x2] =	stream.linear.gather [hbm4b:s4+s2], $0xC350, $0x38;
	[tilespmem:$0xCD50] =	vst v63  }
0xc: {  	_ =	swait.ge [sflag:s7], $0xC350  }
0xd: {  	[sflag:s7] =	ssyncset.done $0x0  }
0xe: {  	s12 =	simm.s32 $0x0;
	[sflag:s7] =	ssyncadd.s32 $0xFFFF3CB0  }
0xf: {  	[tilespmem:s9], [sflag:$0x1] =	stream.indirect.gather [hbm4b:s3+s8], $0x20, s12, s8, $0xb8;
	[tilespmem:$0xCD50] =	vst v63  }
0x10: {  	_ =	swait.ge [sflag:s10], $0xA00  }
0x11: {  	[sflag:s10] =	ssyncset.done $0x0  }
0x12: {  	s31 =	sadd.s32 $0x0, s6;
	[sflag:s10] =	ssyncadd.s32 $0xFFFFF600  }
0x13: {  	[hbm4b:s31+s2] =	stream.linear.scatter [tilespmem:s9], [sflag:$0x2], $0xA00, $0x38;
	[tilespmem:$0xCD50] =	vst v63  }
0x14: {  	_ =	swait.ge [sflag:s7], $0xA00  }
0x15: {  	s13 =	simm.s32 $0x280;
	s12 =	simm.s32 $0x140;
	[sflag:s7] =	ssyncset.done $0x0  }
.LBB2_2:
0x16: {  	s14 =	sshra.s32 s12, $0x2  }
0x17: {  	[sflag:s7] =	ssyncadd.s32 $0xFFFFF600;
	s15 =	smov.u32 s13;
	s16 =	sadd.s32 $0x140, s13  }
0x18: {  	[tilespmem:s9], [sflag:$0x1] =	stream.indirect.gather [hbm4b:s3+s8], $0x20, s14, s8, $0xb8;
	[tilespmem:$0xCD50] =	vst v63  }
0x19: {  	p0 =	sne.s32 s13, $0x30C00;
	_ =	swait.ge [sflag:s10], $0xA00  }
.Ltmp0:
0x1a: {  	[sflag:s10] =	ssyncset.done $0x0;
	(pc) =	sbr.rel @p0 .LBB2_2-.Ltmp0, $4  }
0x1b: {  	s13 =	sadd.s32 s12, s6;
	s12 =	smov.u32 s15;
	[sflag:s10] =	ssyncadd.s32 $0xFFFFF600  }
0x1c: {  	[hbm4b:s13+s2] =	stream.linear.scatter [tilespmem:s9], [sflag:$0x2], $0xA00, $0x38;
	[tilespmem:$0xCD50] =	vst v63  }
0x1d: {  	_ =	swait.ge [sflag:s7], $0xA00  }
0x1e: {  	s13 =	smov.u32 s16;
	[sflag:s7] =	ssyncset.done $0x0  }
0x1f: {  	s13 =	sshra.s32 s12, $0x2;
	[sflag:s7] =	ssyncadd.s32 $0xFFFFF600  }
0x20: {  	[tilespmem:s9], [sflag:$0x1] =	stream.indirect.gather [hbm4b:s3+s8], $0x20, s13, s8, $0xb8;
	[tilespmem:$0xCD50] =	vst v63  }
0x21: {  	s11 =	sadd.s32 $0x1, s11;
	_ =	swait.ge [sflag:s10], $0xA00  }
0x22: {  	p0 =	sne.s32 s11, s5;
	[sflag:s10] =	ssyncset.done $0x0  }
.Ltmp1:
0x23: {  	s31 =	sadd.s32 s12, s6;
	[sflag:s10] =	ssyncadd.s32 $0xFFFFF600;
	(pc) =	sbr.rel @p0 .LBB2_1-.Ltmp1, $4  }
0x24: {  	[hbm4b:s31+s2] =	stream.linear.scatter [tilespmem:s9], [sflag:$0x2], $0xA00, $0x38;
	[tilespmem:$0xCD50] =	vst v63  }
0x25: {  	_ =	swait.ge [sflag:s7], $0xA00  }
0x26: {  	[sflag:s7] =	ssyncset.done $0x0  }
0x27: {  	[sflag:s7] =	ssyncadd.s32 $0xFFFFF600  }
0x28: {  	_ =	sfence.sel $0x180000  }
0x29: {  	[bflag:$0x0] =	sbarrier.arrive $0xFFFF  }
0x2a: {  	p0 =	sne.s32 s0, $0x0;
	_ =	strace $0x90000047  }
0x2b: {  	s0 =	sadd.s32 @!p0 $0x100000, s1;
	[bflag:$0x2] =	sbarrier.arrive $0xFFFF  }
0x2c: {  	[sflag:s0] =	ssyncadd.tile.s32 @!p0 $0x1;
	_ =	shalt  }
.Lfunc_end2:
_tile_overlayer_lowered:
.L_overlay_start_2:
0x2d: {  	(tag) =	ssettag $0x2  }
0x2e: {  	s0 =	rddreg [dreg:$0x0];
	s2 =	stileid.u32  }
0x2f: {  	s1 =	rddreg [dreg:$0x1];
	p0 =	sne.s32 s2, $0x0  }
0x30: {  	s3 =	rddreg [dreg:$0x2];
	[bflag:$0x3] =	sbarrier.arrive $0xFFFF;
	s2 =	simm.s32 @!p0 $0x1C02  }
0x31: {  	[timem:s3], [sflag:s2] =	dma.local @!p0 [hbm:s0], s1  }
0x32: {  	s0 =	simm.s32 @!p0 $0x2  }
0x33: {  	_ =	swait.ge @!p0 [sflag:s0], s1  }
0x34: {  	s1 =	ssub.s32 @!p0 $0x0, s1;
	[sflag:s0] =	ssyncset.done @!p0 $0x0  }
0x35: {  	[sflag:s0] =	ssyncadd.s32 @!p0 s1  }
0x36: {  	[bflag:$0x3] =	sbarrier.arrive $0xFFFF  }
0x37: {  	_ =	shalt  }

</sc_bundles>
